<compile_context>
chip_gen: v7x
topology: tpu7x:2x2x1
jax: 0.10.2.dev20260603
libtpu: 0.0.44.dev20260713+nightly
codegen_flags: <defaults>
</compile_context>

<pallas_src>
import functools

import jax
import jax.numpy as jnp
from jax import lax
from jax.experimental import pallas as pl
from jax.experimental.pallas import tpu as pltpu
from jax.experimental.pallas import tpu_sc as plsc

VOCAB = 1000000
EMBED = 64
BATCH = 4096
SEQ = 50

NC = 2
NS = 16
NW = NC * NS
ROWS_PER_W = BATCH // NW
TOK_PER_W = ROWS_PER_W * SEQ
CHUNK = 128
NCHUNK = TOK_PER_W // CHUNK
PHYS = 2 * EMBED
RPB = 4000


TB = 4096
NB = 125
HALF = NB * TB
LASTB = (VOCAB - 1) // TB


def _repack_tc(tabT):

    def body(a_ref, b_ref, out_ref):
        out_ref[:, :EMBED] = a_ref[...].T
        out_ref[:, EMBED:] = b_ref[...].T

    return pl.pallas_call(
        body,
        grid=(NB,),
        in_specs=[
            pl.BlockSpec((EMBED, TB), lambda i: (0, jnp.minimum(2 * i, LASTB))),
            pl.BlockSpec((EMBED, TB),
                         lambda i: (0, jnp.minimum(2 * i + 1, LASTB))),
        ],
        out_specs=pl.BlockSpec((TB, PHYS), lambda i: (i, 0)),
        out_shape=jax.ShapeDtypeStruct((NB * TB, PHYS), jnp.float32),
        compiler_params=pltpu.CompilerParams(
            dimension_semantics=("parallel",)),
    )(tabT, tabT)


def _pooled_sum_sc(ids3, pattern3, zeros, tab2):
    mesh = plsc.VectorSubcoreMesh(core_axis_name="c", subcore_axis_name="s")

    @functools.partial(
        pl.kernel,
        out_type=jax.ShapeDtypeStruct((2 * BATCH, PHYS), jnp.float32),
        mesh=mesh,
        scratch_types=[
            pltpu.VMEM((NCHUNK, CHUNK), jnp.int32),
            pltpu.VMEM((NCHUNK, CHUNK), jnp.int32),
            pltpu.VMEM_SHARED((2 * NS * ROWS_PER_W, PHYS), jnp.float32),
            pltpu.VMEM((CHUNK, PHYS), jnp.float32),
            pltpu.VMEM((CHUNK, PHYS), jnp.float32),
            pltpu.SemaphoreType.DMA,
            pltpu.SemaphoreType.DMA,
        ],
    )
    def k(ids_hbm, pat_hbm, zer_hbm, tab_hbm, out_hbm,
          ids_v, pat_v, acc_sh, buf0, buf1, sem0, sem1):
        sid = lax.axis_index("s")
        wid = sid * NC + lax.axis_index("c")
        pltpu.sync_copy(ids_hbm.at[wid], ids_v)
        pltpu.sync_copy(pat_hbm.at[wid], pat_v)
        pltpu.sync_copy(zer_hbm, acc_sh.at[pl.ds(sid * 2 * ROWS_PER_W,
                                                 2 * ROWS_PER_W)])

        @pl.loop(0, NCHUNK, step=2)
        def _(j):
            c0 = pltpu.async_copy(tab_hbm.at[ids_v.at[j]], buf0, sem0)
            c1 = pltpu.async_copy(tab_hbm.at[ids_v.at[j + 1]], buf1, sem1)
            c0.wait()
            pltpu.sync_copy(buf0, acc_sh.at[pat_v.at[j]], add=True)
            c1.wait()
            pltpu.sync_copy(buf1, acc_sh.at[pat_v.at[j + 1]], add=True)

        pltpu.sync_copy(acc_sh.at[pl.ds(sid * 2 * ROWS_PER_W, 2 * ROWS_PER_W)],
                        out_hbm.at[pl.ds(wid * 2 * ROWS_PER_W, 2 * ROWS_PER_W)])

    return k(ids3, pattern3, zeros, tab2)


def _mlp_tc(acc, W1, b1, W2, b2):
    nblk = 8
    blk = BATCH // nblk

    def body(a_ref, w1_ref, b1_ref, w2_ref, b2_ref, o_ref):
        x = a_ref[:, 0, :EMBED] + a_ref[:, 1, EMBED:]
        x = x * (1.0 / SEQ)
        h = lax.dot_general(x, w1_ref[...], (((1,), (1,)), ((), ())),
                            precision=lax.Precision.HIGHEST,
                            preferred_element_type=jnp.float32)
        h = h + b1_ref[...]
        h = h * jax.nn.sigmoid(h)
        o = lax.dot_general(h, w2_ref[...], (((1,), (1,)), ((), ())),
                            precision=lax.Precision.HIGHEST,
                            preferred_element_type=jnp.float32)
        o_ref[...] = o + b2_ref[...]

    return pl.pallas_call(
        body,
        grid=(nblk,),
        in_specs=[
            pl.BlockSpec((blk, 2, PHYS), lambda i: (i, 0, 0)),
            pl.BlockSpec((EMBED, EMBED), lambda i: (0, 0)),
            pl.BlockSpec((1, EMBED), lambda i: (0, 0)),
            pl.BlockSpec((EMBED, EMBED), lambda i: (0, 0)),
            pl.BlockSpec((1, EMBED), lambda i: (0, 0)),
        ],
        out_specs=pl.BlockSpec((blk, EMBED), lambda i: (i, 0)),
        out_shape=jax.ShapeDtypeStruct((BATCH, EMBED), jnp.float32),
    )(acc, W1, b1.reshape(1, EMBED), W2, b2.reshape(1, EMBED))


def kernel(token_ids, table, W1, b1, W2, b2):
    tok3 = token_ids.reshape(NW, NCHUNK, CHUNK).astype(jnp.int32)
    c2 = tok3 // TB
    half = c2 & 1
    ids3 = (c2 >> 1) * TB + (tok3 % TB)
    sid3 = (jnp.arange(NW, dtype=jnp.int32) // NC).reshape(NW, 1, 1)
    row3 = (jnp.arange(TOK_PER_W, dtype=jnp.int32) // SEQ).reshape(1, NCHUNK, CHUNK)
    pattern3 = 2 * (sid3 * ROWS_PER_W + row3) + half
    zeros = jnp.zeros((2 * ROWS_PER_W, PHYS), jnp.float32)
    tab2 = _repack_tc(table.T)
    acc = _pooled_sum_sc(ids3, pattern3, zeros, tab2)
    return _mlp_tc(acc.reshape(BATCH, 2, PHYS), W1, b1, W2, b2)

# --- scband reference (transcript-rebuilt; emitter-appended) ---
"""Pipeline reference for scband-token-text-encoder-68496138436842 (READ-ONLY COPY).

The authoritative reference and input builder live on the scoring server;
editing this copy changes nothing except your own understanding.
"""

import jax, jax.numpy as jnp
import numpy as np

VOCAB = 1000000
EMBED = 64
BATCH = 4096
SEQ = 50

def setup_inputs(seed: int = 0) -> dict:
    key = jax.random.key(seed)
    k_ids, k_tab, k_w1, k_b1, k_w2, k_b2 = jax.random.split(key, 6)
    token_ids = jax.random.randint(k_ids, (BATCH, SEQ), 0, VOCAB, dtype=jnp.int64) if jax.config.jax_enable_x64 else jax.random.randint(k_ids, (BATCH, SEQ), 0, VOCAB, dtype=jnp.int32)
    table = jax.random.normal(k_tab, (VOCAB, EMBED), dtype=jnp.float32) * 0.02
    W1 = jax.random.normal(k_w1, (EMBED, EMBED), dtype=jnp.float32) * (1.0 / np.sqrt(EMBED))
    b1 = jnp.zeros((EMBED,), dtype=jnp.float32)
    W2 = jax.random.normal(k_w2, (EMBED, EMBED), dtype=jnp.float32) * (1.0 / np.sqrt(EMBED))
    b2 = jnp.zeros((EMBED,), dtype=jnp.float32)
    return {"token_ids": token_ids, "table": table, "W1": W1, "b1": b1, "W2": W2, "b2": b2}

def reference(token_ids, table, W1, b1, W2, b2):
    # Embedding lookup (gather) + mean over token axis == per-prompt mean pooling
    emb = jnp.take(table, token_ids, axis=0)          # [B, L, D]
    pooled = jnp.mean(emb, axis=1)                    # [B, D]
    # proj: Linear -> SiLU -> Linear (torch Linear: x @ W.T + b)
    h = pooled @ W1.T + b1
    h = h * jax.nn.sigmoid(h)                         # SiLU
    out = h @ W2.T + b2
    return out

if __name__ == "__main__":
    import jax
    _d = setup_inputs()
    print(jax.jit(kernel)(*tuple(_d.values())))

</pallas_src>

<mosaic_0001>
#map = affine_map<(d0, d1) -> (0, 0, 0)>
#map1 = affine_map<(d0, d1) -> (0, 0)>
module attributes {stable_mosaic.version = 14 : i64} {
  func.func @k(%arg0: i32, %arg1: i32, %arg2: memref<32x50x128xi32, #tpu.memory_space<hbm>>, %arg3: memref<32x50x128xi32, #tpu.memory_space<hbm>>, %arg4: memref<256x128xf32, #tpu.memory_space<hbm>>, %arg5: memref<512000x128xf32, #tpu.memory_space<hbm>>, %arg6: memref<8192x128xf32, #tpu.memory_space<hbm>>, %arg7: memref<50x128xi32, #tpu.memory_space<vmem>>, %arg8: memref<50x128xi32, #tpu.memory_space<vmem>>, %arg9: memref<4096x128xf32, #tpu.memory_space<vmem_shared>>, %arg10: memref<128x128xf32, #tpu.memory_space<vmem>>, %arg11: memref<128x128xf32, #tpu.memory_space<vmem>>, %arg12: memref<!tpu.dma_semaphore, #tpu.memory_space<semaphore_mem>>, %arg13: memref<!tpu.dma_semaphore, #tpu.memory_space<semaphore_mem>>) attributes {dimension_semantics = [#tpu.dimension_semantics<core_parallel>, #tpu.dimension_semantics<subcore_parallel>], iteration_bounds = array<i64: 2, 16>, scalar_prefetch = 0 : i64, scratch_operands = 7 : i64, tpu.core_type = #tpu.core_type<sc_vector_subcore>, window_params = [{transform_indices = #map}, {transform_indices = #map}, {transform_indices = #map1}, {transform_indices = #map1}, {transform_indices = #map1}]} {
    %mul3A = arith.constant 2 : i32
    %mul3A_0 = arith.muli %arg1, %mul3A : i32
    %add3A = arith.addi %mul3A_0, %arg0 : i32
    "tpu.region"() ({
      %run_scoped3A = tpu.sem_alloc : memref<!tpu.dma_semaphore, #tpu.memory_space<semaphore_mem>>
      %dma_start3A = arith.constant 0 : i32
      %dma_start3A_17 = arith.constant 0 : i32
      %dma_start3A_18 = tpu.memref_slice %arg2[%add3A, %dma_start3A, %dma_start3A_17] : memref<32x50x128xi32, #tpu.memory_space<hbm>> -> memref<1x50x128xi32, #tpu.memory_space<hbm>>
      %dma_start3A_19 = tpu.memref_squeeze %dma_start3A_18 : memref<1x50x128xi32, #tpu.memory_space<hbm>> -> memref<50x128xi32, #tpu.memory_space<hbm>>
      %dma_start3A_20 = arith.constant 0 : i32
      %dma_start3A_21 = arith.constant 0 : i32
      %dma_start3A_22 = tpu.memref_slice %arg2[%add3A, %dma_start3A_20, %dma_start3A_21] : memref<32x50x128xi32, #tpu.memory_space<hbm>> -> memref<1x50x128xi32, #tpu.memory_space<hbm>>
      %dma_start3A_23 = tpu.memref_squeeze %dma_start3A_22 : memref<1x50x128xi32, #tpu.memory_space<hbm>> -> memref<50x128xi32, #tpu.memory_space<hbm>>
      tpu.enqueue_dma source(%dma_start3A_23 : memref<50x128xi32, #tpu.memory_space<hbm>>) target(%arg7 : memref<50x128xi32, #tpu.memory_space<vmem>>) target_semaphore(%run_scoped3A : memref<!tpu.dma_semaphore, #tpu.memory_space<semaphore_mem>>)
      %dma_wait3A = arith.constant 0 : i32
      %dma_wait3A_24 = arith.constant 0 : i32
      %dma_wait3A_25 = tpu.memref_slice %arg2[%add3A, %dma_wait3A, %dma_wait3A_24] : memref<32x50x128xi32, #tpu.memory_space<hbm>> -> memref<1x50x128xi32, #tpu.memory_space<hbm>>
      %dma_wait3A_26 = tpu.memref_squeeze %dma_wait3A_25 : memref<1x50x128xi32, #tpu.memory_space<hbm>> -> memref<50x128xi32, #tpu.memory_space<hbm>>
      %dma_wait3A_27 = arith.constant 0 : i32
      %dma_wait3A_28 = arith.constant 0 : i32
      %dma_wait3A_29 = tpu.memref_slice %arg2[%add3A, %dma_wait3A_27, %dma_wait3A_28] : memref<32x50x128xi32, #tpu.memory_space<hbm>> -> memref<1x50x128xi32, #tpu.memory_space<hbm>>
      %dma_wait3A_30 = tpu.memref_squeeze %dma_wait3A_29 : memref<1x50x128xi32, #tpu.memory_space<hbm>> -> memref<50x128xi32, #tpu.memory_space<hbm>>
      tpu.wait_dma2 semaphore(%run_scoped3A : memref<!tpu.dma_semaphore, #tpu.memory_space<semaphore_mem>>) src(%dma_wait3A_30 : memref<50x128xi32, #tpu.memory_space<hbm>>) dst(%arg7 : memref<50x128xi32, #tpu.memory_space<vmem>>)
      tpu.yield
    }) : () -> ()
    "tpu.region"() ({
      %run_scoped3A = tpu.sem_alloc : memref<!tpu.dma_semaphore, #tpu.memory_space<semaphore_mem>>
      %dma_start3A = arith.constant 0 : i32
      %dma_start3A_17 = arith.constant 0 : i32
      %dma_start3A_18 = tpu.memref_slice %arg3[%add3A, %dma_start3A, %dma_start3A_17] : memref<32x50x128xi32, #tpu.memory_space<hbm>> -> memref<1x50x128xi32, #tpu.memory_space<hbm>>
      %dma_start3A_19 = tpu.memref_squeeze %dma_start3A_18 : memref<1x50x128xi32, #tpu.memory_space<hbm>> -> memref<50x128xi32, #tpu.memory_space<hbm>>
      %dma_start3A_20 = arith.constant 0 : i32
      %dma_start3A_21 = arith.constant 0 : i32
      %dma_start3A_22 = tpu.memref_slice %arg3[%add3A, %dma_start3A_20, %dma_start3A_21] : memref<32x50x128xi32, #tpu.memory_space<hbm>> -> memref<1x50x128xi32, #tpu.memory_space<hbm>>
      %dma_start3A_23 = tpu.memref_squeeze %dma_start3A_22 : memref<1x50x128xi32, #tpu.memory_space<hbm>> -> memref<50x128xi32, #tpu.memory_space<hbm>>
      tpu.enqueue_dma source(%dma_start3A_23 : memref<50x128xi32, #tpu.memory_space<hbm>>) target(%arg8 : memref<50x128xi32, #tpu.memory_space<vmem>>) target_semaphore(%run_scoped3A : memref<!tpu.dma_semaphore, #tpu.memory_space<semaphore_mem>>)
      %dma_wait3A = arith.constant 0 : i32
      %dma_wait3A_24 = arith.constant 0 : i32
      %dma_wait3A_25 = tpu.memref_slice %arg3[%add3A, %dma_wait3A, %dma_wait3A_24] : memref<32x50x128xi32, #tpu.memory_space<hbm>> -> memref<1x50x128xi32, #tpu.memory_space<hbm>>
      %dma_wait3A_26 = tpu.memref_squeeze %dma_wait3A_25 : memref<1x50x128xi32, #tpu.memory_space<hbm>> -> memref<50x128xi32, #tpu.memory_space<hbm>>
      %dma_wait3A_27 = arith.constant 0 : i32
      %dma_wait3A_28 = arith.constant 0 : i32
      %dma_wait3A_29 = tpu.memref_slice %arg3[%add3A, %dma_wait3A_27, %dma_wait3A_28] : memref<32x50x128xi32, #tpu.memory_space<hbm>> -> memref<1x50x128xi32, #tpu.memory_space<hbm>>
      %dma_wait3A_30 = tpu.memref_squeeze %dma_wait3A_29 : memref<1x50x128xi32, #tpu.memory_space<hbm>> -> memref<50x128xi32, #tpu.memory_space<hbm>>
      tpu.wait_dma2 semaphore(%run_scoped3A : memref<!tpu.dma_semaphore, #tpu.memory_space<semaphore_mem>>) src(%dma_wait3A_30 : memref<50x128xi32, #tpu.memory_space<hbm>>) dst(%arg8 : memref<50x128xi32, #tpu.memory_space<vmem>>)
      tpu.yield
    }) : () -> ()
    %mul3A_1 = arith.constant 2 : i32
    %mul3A_2 = arith.muli %arg1, %mul3A_1 : i32
    %mul3A_3 = arith.constant 128 : i32
    %mul3A_4 = arith.muli %mul3A_2, %mul3A_3 : i32
    "tpu.region"() ({
      %run_scoped3A = tpu.sem_alloc : memref<!tpu.dma_semaphore, #tpu.memory_space<semaphore_mem>>
      %dma_start3A = arith.constant 0 : i32
      %dma_start3A_17 = tpu.memref_slice %arg9[%mul3A_4, %dma_start3A] : memref<4096x128xf32, #tpu.memory_space<vmem_shared>> -> memref<256x128xf32, #tpu.memory_space<vmem_shared>>
      tpu.enqueue_dma source(%arg4 : memref<256x128xf32, #tpu.memory_space<hbm>>) target(%dma_start3A_17 : memref<256x128xf32, #tpu.memory_space<vmem_shared>>) target_semaphore(%run_scoped3A : memref<!tpu.dma_semaphore, #tpu.memory_space<semaphore_mem>>)
      %dma_wait3A = arith.constant 0 : i32
      %dma_wait3A_18 = tpu.memref_slice %arg9[%mul3A_4, %dma_wait3A] : memref<4096x128xf32, #tpu.memory_space<vmem_shared>> -> memref<256x128xf32, #tpu.memory_space<vmem_shared>>
      tpu.wait_dma2 semaphore(%run_scoped3A : memref<!tpu.dma_semaphore, #tpu.memory_space<semaphore_mem>>) src(%arg4 : memref<256x128xf32, #tpu.memory_space<hbm>>) dst(%dma_wait3A_18 : memref<256x128xf32, #tpu.memory_space<vmem_shared>>)
      tpu.yield
    }) : () -> ()
    %scan3A = arith.constant 0 : i32
    %scan3A_5 = arith.constant 25 : i32
    %scan3A_6 = arith.addi %scan3A, %scan3A_5 : i32
    %scan3A_7 = arith.constant 1 : i32
    scf.for %scan3A_17 = %scan3A to %scan3A_6 step %scan3A_7  : i32 {
      %mul3A_18 = arith.constant 2 : i32
      %mul3A_19 = arith.muli %scan3A_17, %mul3A_18 : i32
      %add3A_20 = arith.constant 0 : i32
      %add3A_21 = arith.addi %add3A_20, %mul3A_19 : i32
      %dma_start3A = arith.constant 0 : i32
      %dma_start3A_22 = tpu.memref_slice %arg7[%add3A_21, %dma_start3A] : memref<50x128xi32, #tpu.memory_space<vmem>> -> memref<1x128xi32, #tpu.memory_space<vmem>>
      %dma_start3A_23 = tpu.memref_squeeze %dma_start3A_22 : memref<1x128xi32, #tpu.memory_space<vmem>> -> memref<128xi32, #tpu.memory_space<vmem>>
      %dma_start3A_24 = arith.constant 0 : i32
      %dma_start3A_25 = arith.constant 0 : i32
      %dma_start3A_26 = tpu.memref_slice %arg5[%dma_start3A_24, %dma_start3A_25] : memref<512000x128xf32, #tpu.memory_space<hbm>> -> memref<512000x128xf32, #tpu.memory_space<hbm>>
      tpu.enqueue_indirect_dma source(%dma_start3A_26 : memref<512000x128xf32, #tpu.memory_space<hbm>>) target(%arg10 : memref<128x128xf32, #tpu.memory_space<vmem>>) offsets(%dma_start3A_23 : memref<128xi32, #tpu.memory_space<vmem>>) semaphore(%arg12 : memref<!tpu.dma_semaphore, #tpu.memory_space<semaphore_mem>>)
      %add3A_27 = arith.constant 1 : i32
      %add3A_28 = arith.addi %add3A_21, %add3A_27 : i32
      %dma_start3A_29 = arith.constant 0 : i32
      %dma_start3A_30 = tpu.memref_slice %arg7[%add3A_28, %dma_start3A_29] : memref<50x128xi32, #tpu.memory_space<vmem>> -> memref<1x128xi32, #tpu.memory_space<vmem>>
      %dma_start3A_31 = tpu.memref_squeeze %dma_start3A_30 : memref<1x128xi32, #tpu.memory_space<vmem>> -> memref<128xi32, #tpu.memory_space<vmem>>
      %dma_start3A_32 = arith.constant 0 : i32
      %dma_start3A_33 = arith.constant 0 : i32
      %dma_start3A_34 = tpu.memref_slice %arg5[%dma_start3A_32, %dma_start3A_33] : memref<512000x128xf32, #tpu.memory_space<hbm>> -> memref<512000x128xf32, #tpu.memory_space<hbm>>
      tpu.enqueue_indirect_dma source(%dma_start3A_34 : memref<512000x128xf32, #tpu.memory_space<hbm>>) target(%arg11 : memref<128x128xf32, #tpu.memory_space<vmem>>) offsets(%dma_start3A_31 : memref<128xi32, #tpu.memory_space<vmem>>) semaphore(%arg13 : memref<!tpu.dma_semaphore, #tpu.memory_space<semaphore_mem>>)
      %dma_wait3A = arith.constant 0 : i32
      %dma_wait3A_35 = tpu.memref_slice %arg7[%add3A_21, %dma_wait3A] : memref<50x128xi32, #tpu.memory_space<vmem>> -> memref<1x128xi32, #tpu.memory_space<vmem>>
      %dma_wait3A_36 = tpu.memref_squeeze %dma_wait3A_35 : memref<1x128xi32, #tpu.memory_space<vmem>> -> memref<128xi32, #tpu.memory_space<vmem>>
      %dma_wait3A_37 = arith.constant 0 : i32
      %dma_wait3A_38 = arith.constant 0 : i32
      %dma_wait3A_39 = tpu.memref_slice %arg5[%dma_wait3A_37, %dma_wait3A_38] : memref<512000x128xf32, #tpu.memory_space<hbm>> -> memref<512000x128xf32, #tpu.memory_space<hbm>>
      tpu.wait_indirect_dma semaphore(%arg12 : memref<!tpu.dma_semaphore, #tpu.memory_space<semaphore_mem>>) src(%dma_wait3A_39 : memref<512000x128xf32, #tpu.memory_space<hbm>>) dst(%arg10 : memref<128x128xf32, #tpu.memory_space<vmem>>)
      "tpu.region"() ({
        %run_scoped3A = tpu.sem_alloc : memref<!tpu.dma_semaphore, #tpu.memory_space<semaphore_mem>>
        %dma_start3A_48 = arith.constant 0 : i32
        %dma_start3A_49 = tpu.memref_slice %arg8[%add3A_21, %dma_start3A_48] : memref<50x128xi32, #tpu.memory_space<vmem>> -> memref<1x128xi32, #tpu.memory_space<vmem>>
        %dma_start3A_50 = tpu.memref_squeeze %dma_start3A_49 : memref<1x128xi32, #tpu.memory_space<vmem>> -> memref<128xi32, #tpu.memory_space<vmem>>
        %dma_start3A_51 = arith.constant 0 : i32
        %dma_start3A_52 = arith.constant 0 : i32
        %dma_start3A_53 = tpu.memref_slice %arg9[%dma_start3A_51, %dma_start3A_52] : memref<4096x128xf32, #tpu.memory_space<vmem_shared>> -> memref<4096x128xf32, #tpu.memory_space<vmem_shared>>
        tpu.enqueue_indirect_dma source(%arg10 : memref<128x128xf32, #tpu.memory_space<vmem>>) target(%dma_start3A_53 : memref<4096x128xf32, #tpu.memory_space<vmem_shared>>) offsets(%dma_start3A_50 : memref<128xi32, #tpu.memory_space<vmem>>) semaphore(%run_scoped3A : memref<!tpu.dma_semaphore, #tpu.memory_space<semaphore_mem>>) {add = true}
        %dma_wait3A_54 = arith.constant 0 : i32
        %dma_wait3A_55 = tpu.memref_slice %arg8[%add3A_21, %dma_wait3A_54] : memref<50x128xi32, #tpu.memory_space<vmem>> -> memref<1x128xi32, #tpu.memory_space<vmem>>
        %dma_wait3A_56 = tpu.memref_squeeze %dma_wait3A_55 : memref<1x128xi32, #tpu.memory_space<vmem>> -> memref<128xi32, #tpu.memory_space<vmem>>
        %dma_wait3A_57 = arith.constant 0 : i32
        %dma_wait3A_58 = arith.constant 0 : i32
        %dma_wait3A_59 = tpu.memref_slice %arg9[%dma_wait3A_57, %dma_wait3A_58] : memref<4096x128xf32, #tpu.memory_space<vmem_shared>> -> memref<4096x128xf32, #tpu.memory_space<vmem_shared>>
        tpu.wait_indirect_dma semaphore(%run_scoped3A : memref<!tpu.dma_semaphore, #tpu.memory_space<semaphore_mem>>) src(%arg10 : memref<128x128xf32, #tpu.memory_space<vmem>>) dst(%dma_wait3A_59 : memref<4096x128xf32, #tpu.memory_space<vmem_shared>>)
        tpu.yield
      }) : () -> ()
      %dma_wait3A_40 = arith.constant 0 : i32
      %dma_wait3A_41 = tpu.memref_slice %arg7[%add3A_28, %dma_wait3A_40] : memref<50x128xi32, #tpu.memory_space<vmem>> -> memref<1x128xi32, #tpu.memory_space<vmem>>
      %dma_wait3A_42 = tpu.memref_squeeze %dma_wait3A_41 : memref<1x128xi32, #tpu.memory_space<vmem>> -> memref<128xi32, #tpu.memory_space<vmem>>
      %dma_wait3A_43 = arith.constant 0 : i32
      %dma_wait3A_44 = arith.constant 0 : i32
      %dma_wait3A_45 = tpu.memref_slice %arg5[%dma_wait3A_43, %dma_wait3A_44] : memref<512000x128xf32, #tpu.memory_space<hbm>> -> memref<512000x128xf32, #tpu.memory_space<hbm>>
      tpu.wait_indirect_dma semaphore(%arg13 : memref<!tpu.dma_semaphore, #tpu.memory_space<semaphore_mem>>) src(%dma_wait3A_45 : memref<512000x128xf32, #tpu.memory_space<hbm>>) dst(%arg11 : memref<128x128xf32, #tpu.memory_space<vmem>>)
      %add3A_46 = arith.constant 1 : i32
      %add3A_47 = arith.addi %add3A_21, %add3A_46 : i32
      "tpu.region"() ({
        %run_scoped3A = tpu.sem_alloc : memref<!tpu.dma_semaphore, #tpu.memory_space<semaphore_mem>>
        %dma_start3A_48 = arith.constant 0 : i32
        %dma_start3A_49 = tpu.memref_slice %arg8[%add3A_47, %dma_start3A_48] : memref<50x128xi32, #tpu.memory_space<vmem>> -> memref<1x128xi32, #tpu.memory_space<vmem>>
        %dma_start3A_50 = tpu.memref_squeeze %dma_start3A_49 : memref<1x128xi32, #tpu.memory_space<vmem>> -> memref<128xi32, #tpu.memory_space<vmem>>
        %dma_start3A_51 = arith.constant 0 : i32
        %dma_start3A_52 = arith.constant 0 : i32
        %dma_start3A_53 = tpu.memref_slice %arg9[%dma_start3A_51, %dma_start3A_52] : memref<4096x128xf32, #tpu.memory_space<vmem_shared>> -> memref<4096x128xf32, #tpu.memory_space<vmem_shared>>
        tpu.enqueue_indirect_dma source(%arg11 : memref<128x128xf32, #tpu.memory_space<vmem>>) target(%dma_start3A_53 : memref<4096x128xf32, #tpu.memory_space<vmem_shared>>) offsets(%dma_start3A_50 : memref<128xi32, #tpu.memory_space<vmem>>) semaphore(%run_scoped3A : memref<!tpu.dma_semaphore, #tpu.memory_space<semaphore_mem>>) {add = true}
        %dma_wait3A_54 = arith.constant 0 : i32
        %dma_wait3A_55 = tpu.memref_slice %arg8[%add3A_47, %dma_wait3A_54] : memref<50x128xi32, #tpu.memory_space<vmem>> -> memref<1x128xi32, #tpu.memory_space<vmem>>
        %dma_wait3A_56 = tpu.memref_squeeze %dma_wait3A_55 : memref<1x128xi32, #tpu.memory_space<vmem>> -> memref<128xi32, #tpu.memory_space<vmem>>
        %dma_wait3A_57 = arith.constant 0 : i32
        %dma_wait3A_58 = arith.constant 0 : i32
        %dma_wait3A_59 = tpu.memref_slice %arg9[%dma_wait3A_57, %dma_wait3A_58] : memref<4096x128xf32, #tpu.memory_space<vmem_shared>> -> memref<4096x128xf32, #tpu.memory_space<vmem_shared>>
        tpu.wait_indirect_dma semaphore(%run_scoped3A : memref<!tpu.dma_semaphore, #tpu.memory_space<semaphore_mem>>) src(%arg11 : memref<128x128xf32, #tpu.memory_space<vmem>>) dst(%dma_wait3A_59 : memref<4096x128xf32, #tpu.memory_space<vmem_shared>>)
        tpu.yield
      }) : () -> ()
    }
    %scan3A_8 = arith.constant 25 : i32
    %mul3A_9 = arith.constant 2 : i32
    %mul3A_10 = arith.muli %arg1, %mul3A_9 : i32
    %mul3A_11 = arith.constant 128 : i32
    %mul3A_12 = arith.muli %mul3A_10, %mul3A_11 : i32
    %mul3A_13 = arith.constant 2 : i32
    %mul3A_14 = arith.muli %add3A, %mul3A_13 : i32
    %mul3A_15 = arith.constant 128 : i32
    %mul3A_16 = arith.muli %mul3A_14, %mul3A_15 : i32
    "tpu.region"() ({
      %run_scoped3A = tpu.sem_alloc : memref<!tpu.dma_semaphore, #tpu.memory_space<semaphore_mem>>
      %dma_start3A = arith.constant 0 : i32
      %dma_start3A_17 = tpu.memref_slice %arg6[%mul3A_16, %dma_start3A] : memref<8192x128xf32, #tpu.memory_space<hbm>> -> memref<256x128xf32, #tpu.memory_space<hbm>>
      %dma_start3A_18 = arith.constant 0 : i32
      %dma_start3A_19 = tpu.memref_slice %arg9[%mul3A_12, %dma_start3A_18] : memref<4096x128xf32, #tpu.memory_space<vmem_shared>> -> memref<256x128xf32, #tpu.memory_space<vmem_shared>>
      tpu.enqueue_dma source(%dma_start3A_19 : memref<256x128xf32, #tpu.memory_space<vmem_shared>>) target(%dma_start3A_17 : memref<256x128xf32, #tpu.memory_space<hbm>>) target_semaphore(%run_scoped3A : memref<!tpu.dma_semaphore, #tpu.memory_space<semaphore_mem>>)
      %dma_wait3A = arith.constant 0 : i32
      %dma_wait3A_20 = tpu.memref_slice %arg6[%mul3A_16, %dma_wait3A] : memref<8192x128xf32, #tpu.memory_space<hbm>> -> memref<256x128xf32, #tpu.memory_space<hbm>>
      %dma_wait3A_21 = arith.constant 0 : i32
      %dma_wait3A_22 = tpu.memref_slice %arg9[%mul3A_12, %dma_wait3A_21] : memref<4096x128xf32, #tpu.memory_space<vmem_shared>> -> memref<256x128xf32, #tpu.memory_space<vmem_shared>>
      tpu.wait_dma2 semaphore(%run_scoped3A : memref<!tpu.dma_semaphore, #tpu.memory_space<semaphore_mem>>) src(%dma_wait3A_22 : memref<256x128xf32, #tpu.memory_space<vmem_shared>>) dst(%dma_wait3A_20 : memref<256x128xf32, #tpu.memory_space<hbm>>)
      tpu.yield
    }) : () -> ()
    return
  }
}

module attributes {stable_mosaic.version = 14 : i64} {
  func.func @body(%arg0: i32, %arg1: memref<64x4096xf32, #tpu.memory_space<vmem>>, %arg2: memref<64x4096xf32, #tpu.memory_space<vmem>>, %arg3: memref<4096x128xf32, #tpu.memory_space<vmem>>) attributes {dimension_semantics = [#tpu.dimension_semantics<parallel>], iteration_bounds = array<i64: 125>, scalar_prefetch = 0 : i64, scratch_operands = 0 : i64, tpu.core_type = #tpu.core_type<tc>, window_params = [{transform_indices = @transform_0, window_bounds = array<i64: 64, 4096>}, {transform_indices = @transform_1, window_bounds = array<i64: 64, 4096>}, {transform_indices = @transform_2, window_bounds = array<i64: 4096, 128>}]} {
    %get3A = arith.constant 0 : index
    %get3A_0 = arith.constant 0 : index
    %get3A_1 = vector.load %arg1[%get3A, %get3A_0] : memref<64x4096xf32, #tpu.memory_space<vmem>>, vector<64x4096xf32>
    %transpose3A = tpu.transpose %get3A_1, [1, 0] : vector<64x4096xf32> -> vector<4096x64xf32>
    %swap3A = arith.constant 0 : index
    %swap3A_2 = arith.constant 0 : index
    %swap3A_3 = vector.load %arg3[%swap3A, %swap3A_2] : memref<4096x128xf32, #tpu.memory_space<vmem>>, vector<4096x64xf32>
    tpu.vector_store %arg3[%swap3A, %swap3A_2], %transpose3A {strides = array<i32>} : memref<4096x128xf32, #tpu.memory_space<vmem>>, vector<4096x64xf32>,
    %get3A_4 = arith.constant 0 : index
    %get3A_5 = arith.constant 0 : index
    %get3A_6 = vector.load %arg2[%get3A_4, %get3A_5] : memref<64x4096xf32, #tpu.memory_space<vmem>>, vector<64x4096xf32>
    %transpose3A_7 = tpu.transpose %get3A_6, [1, 0] : vector<64x4096xf32> -> vector<4096x64xf32>
    %swap3A_8 = arith.constant 0 : index
    %swap3A_9 = arith.constant 64 : index
    %swap3A_10 = vector.load %arg3[%swap3A_8, %swap3A_9] : memref<4096x128xf32, #tpu.memory_space<vmem>>, vector<4096x64xf32>
    tpu.vector_store %arg3[%swap3A_8, %swap3A_9], %transpose3A_7 {strides = array<i32>} : memref<4096x128xf32, #tpu.memory_space<vmem>>, vector<4096x64xf32>,
    return
  }
  func.func @transform_0(%arg0: i32) -> (i32, i32) {
    %mul3A = arith.constant 2 : i32
    %mul3A_0 = arith.muli %mul3A, %arg0 : i32
    %min3A = arith.constant 244 : i32
    %min3A_1 = arith.minsi %mul3A_0, %min3A : i32
    %c0_i32 = arith.constant 0 : i32
    %c0_i32_2 = arith.constant 0 : i32
    return %c0_i32, %min3A_1 : i32, i32
  }
  func.func @transform_1(%arg0: i32) -> (i32, i32) {
    %mul3A = arith.constant 2 : i32
    %mul3A_0 = arith.muli %mul3A, %arg0 : i32
    %add3A = arith.constant 1 : i32
    %add3A_1 = arith.addi %mul3A_0, %add3A : i32
    %min3A = arith.constant 244 : i32
    %min3A_2 = arith.minsi %add3A_1, %min3A : i32
    %c0_i32 = arith.constant 0 : i32
    %c0_i32_3 = arith.constant 0 : i32
    return %c0_i32, %min3A_2 : i32, i32
  }
  func.func @transform_2(%arg0: i32) -> (i32, i32) {
    %c0_i32 = arith.constant 0 : i32
    %c0_i32_0 = arith.constant 0 : i32
    return %arg0, %c0_i32 : i32, i32
  }
}

module attributes {stable_mosaic.version = 14 : i64} {
  func.func @body(%arg0: i32, %arg1: memref<512x2x128xf32, #tpu.memory_space<vmem>>, %arg2: memref<64x64xf32, #tpu.memory_space<vmem>>, %arg3: memref<1x64xf32, #tpu.memory_space<vmem>>, %arg4: memref<64x64xf32, #tpu.memory_space<vmem>>, %arg5: memref<1x64xf32, #tpu.memory_space<vmem>>, %arg6: memref<512x64xf32, #tpu.memory_space<vmem>>) attributes {dimension_semantics = [#tpu.dimension_semantics<arbitrary>], iteration_bounds = array<i64: 8>, scalar_prefetch = 0 : i64, scratch_operands = 0 : i64, tpu.core_type = #tpu.core_type<tc>, window_params = [{transform_indices = @transform_0, window_bounds = array<i64: 512, 2, 128>}, {pipeline_mode = #tpu.pipeline_mode<synchronous>, transform_indices = @transform_1, window_bounds = array<i64: 64, 64>}, {pipeline_mode = #tpu.pipeline_mode<synchronous>, transform_indices = @transform_2, window_bounds = array<i64: 1, 64>}, {pipeline_mode = #tpu.pipeline_mode<synchronous>, transform_indices = @transform_3, window_bounds = array<i64: 64, 64>}, {pipeline_mode = #tpu.pipeline_mode<synchronous>, transform_indices = @transform_4, window_bounds = array<i64: 1, 64>}, {transform_indices = @transform_5, window_bounds = array<i64: 512, 64>}]} {
    %get3A = arith.constant 0 : index
    %get3A_0 = arith.constant 0 : index
    %get3A_1 = arith.constant 0 : index
    %get3A_2 = vector.load %arg1[%get3A, %get3A_0, %get3A_1] : memref<512x2x128xf32, #tpu.memory_space<vmem>>, vector<512x1x64xf32>
    %get3A_3 = vector.shape_cast %get3A_2 : vector<512x1x64xf32> to vector<512x64xf32>
    %get3A_4 = arith.constant 0 : index
    %get3A_5 = arith.constant 1 : index
    %get3A_6 = arith.constant 64 : index
    %get3A_7 = vector.load %arg1[%get3A_4, %get3A_5, %get3A_6] : memref<512x2x128xf32, #tpu.memory_space<vmem>>, vector<512x1x64xf32>
    %get3A_8 = vector.shape_cast %get3A_7 : vector<512x1x64xf32> to vector<512x64xf32>
    %add3A = arith.addf %get3A_3, %get3A_8 : vector<512x64xf32>
    %mul3A = arith.constant 2.000000e-02 : f32
    %mul3A_9 = vector.broadcast %mul3A : f32 to vector<512x64xf32>
    %mul3A_10 = arith.mulf %add3A, %mul3A_9 : vector<512x64xf32>
    %get3A_11 = arith.constant 0 : index
    %get3A_12 = arith.constant 0 : index
    %get3A_13 = vector.load %arg2[%get3A_11, %get3A_12] : memref<64x64xf32, #tpu.memory_space<vmem>>, vector<64x64xf32>
    %dot_general3A = arith.constant dense<0.000000e+00> : vector<512x64xf32>
    %dot_general3A_14 = tpu.matmul %mul3A_10, %get3A_13, %dot_general3A {dimension_numbers = #tpu.dot_dimension_numbers<[1], [1], [0], [0], [0, 0, 1, 0], [], []>, precision = #tpu.contract_precision<fp32>, transpose_lhs_hint = false} : vector<512x64xf32>, vector<64x64xf32>, vector<512x64xf32> -> vector<512x64xf32>
    %get3A_15 = arith.constant 0 : index
    %get3A_16 = arith.constant 0 : index
    %get3A_17 = vector.load %arg3[%get3A_15, %get3A_16] : memref<1x64xf32, #tpu.memory_space<vmem>>, vector<1x64xf32>
    %add3A_18 = vector.broadcast %get3A_17 : vector<1x64xf32> to vector<512x64xf32>
    %add3A_19 = arith.addf %dot_general3A_14, %add3A_18 : vector<512x64xf32>
    %logistic3A = arith.negf %add3A_19 : vector<512x64xf32>
    %logistic3A_20 = math.exp %logistic3A : vector<512x64xf32>
    %logistic3A_21 = arith.constant 1.000000e+00 : f32
    %logistic3A_22 = vector.broadcast %logistic3A_21 : f32 to vector<512x64xf32>
    %logistic3A_23 = arith.addf %logistic3A_22, %logistic3A_20 : vector<512x64xf32>
    %logistic3A_24 = arith.divf %logistic3A_22, %logistic3A_23 : vector<512x64xf32>
    %mul3A_25 = arith.mulf %add3A_19, %logistic3A_24 : vector<512x64xf32>
    %get3A_26 = arith.constant 0 : index
    %get3A_27 = arith.constant 0 : index
    %get3A_28 = vector.load %arg4[%get3A_26, %get3A_27] : memref<64x64xf32, #tpu.memory_space<vmem>>, vector<64x64xf32>
    %dot_general3A_29 = arith.constant dense<0.000000e+00> : vector<512x64xf32>
    %dot_general3A_30 = tpu.matmul %mul3A_25, %get3A_28, %dot_general3A_29 {dimension_numbers = #tpu.dot_dimension_numbers<[1], [1], [0], [0], [0, 0, 1, 0], [], []>, precision = #tpu.contract_precision<fp32>, transpose_lhs_hint = false} : vector<512x64xf32>, vector<64x64xf32>, vector<512x64xf32> -> vector<512x64xf32>
    %get3A_31 = arith.constant 0 : index
    %get3A_32 = arith.constant 0 : index
    %get3A_33 = vector.load %arg5[%get3A_31, %get3A_32] : memref<1x64xf32, #tpu.memory_space<vmem>>, vector<1x64xf32>
    %add3A_34 = vector.broadcast %get3A_33 : vector<1x64xf32> to vector<512x64xf32>
    %add3A_35 = arith.addf %dot_general3A_30, %add3A_34 : vector<512x64xf32>
    %swap3A = arith.constant 0 : index
    %swap3A_36 = arith.constant 0 : index
    %swap3A_37 = vector.load %arg6[%swap3A, %swap3A_36] : memref<512x64xf32, #tpu.memory_space<vmem>>, vector<512x64xf32>
    tpu.vector_store %arg6[%swap3A, %swap3A_36], %add3A_35 {strides = array<i32>} : memref<512x64xf32, #tpu.memory_space<vmem>>, vector<512x64xf32>,
    return
  }
  func.func @transform_0(%arg0: i32) -> (i32, i32, i32) {
    %c0_i32 = arith.constant 0 : i32
    %c0_i32_0 = arith.constant 0 : i32
    %c0_i32_1 = arith.constant 0 : i32
    return %arg0, %c0_i32, %c0_i32_0 : i32, i32, i32
  }
  func.func @transform_1(%arg0: i32) -> (i32, i32) {
    %c0_i32 = arith.constant 0 : i32
    %c0_i32_0 = arith.constant 0 : i32
    %c0_i32_1 = arith.constant 0 : i32
    return %c0_i32, %c0_i32_0 : i32, i32
  }
  func.func @transform_2(%arg0: i32) -> (i32, i32) {
    %c0_i32 = arith.constant 0 : i32
    %c0_i32_0 = arith.constant 0 : i32
    %c0_i32_1 = arith.constant 0 : i32
    return %c0_i32, %c0_i32_0 : i32, i32
  }
  func.func @transform_3(%arg0: i32) -> (i32, i32) {
    %c0_i32 = arith.constant 0 : i32
    %c0_i32_0 = arith.constant 0 : i32
    %c0_i32_1 = arith.constant 0 : i32
    return %c0_i32, %c0_i32_0 : i32, i32
  }
  func.func @transform_4(%arg0: i32) -> (i32, i32) {
    %c0_i32 = arith.constant 0 : i32
    %c0_i32_0 = arith.constant 0 : i32
    %c0_i32_1 = arith.constant 0 : i32
    return %c0_i32, %c0_i32_0 : i32, i32
  }
  func.func @transform_5(%arg0: i32) -> (i32, i32) {
    %c0_i32 = arith.constant 0 : i32
    %c0_i32_0 = arith.constant 0 : i32
    return %arg0, %c0_i32 : i32, i32
  }
}

</mosaic_0001>

<sc_bundles>
// kernel: kernel.5.cloned.1.call-start
scs
__scs_entry_jumppad:
0x0: {  	(pc) =	sbr.rel $0x88, $3  }
0x1: {  	(tag) =	ssettag $0x0;
	lr =	simm.s32 $0x1  }
0x2: {  	[smem:$0x3F9B] =	sst lr;
	_ =	strace $0xD0000000  }
0x3: {  	_ = 	snop  }
0x4: {  	_ = 	snop  }
0x5: {  	_ = 	snop  }
0x6: {  	_ = 	snop  }
0x7: {  	_ = 	snop  }
__scs_overlays_trampoline_lowered:
0x8: {  	[smem:$0x3FAA] =	sst s0  }
0x9: {  	[smem:$0x3FAB] =	sst s1  }
0xa: {  	[smem:$0x3FAC] =	sst s2  }
0xb: {  	[smem:$0x3FAD] =	sst s3  }
0xc: {  	[smem:$0x3FAE] =	sst s4  }
0xd: {  	[smem:$0x3FAF] =	sst s5  }
0xe: {  	[smem:$0x3FB0] =	sst s6  }
0xf: {  	[smem:$0x3FB1] =	sst s7  }
0x10: {  	[smem:$0x3FB2] =	sst s8  }
0x11: {  	[smem:$0x3FB3] =	sst s9;
	s0 =	simm.s32 @!p0 $0x0  }
0x12: {  	s1 =	sld [smem:$0x3F99];
	s0 =	simm.s32 @p0 $0x1  }
0x13: {  	[smem:$0x3FB4] =	sst s0;
	s0 =	simm.s32 @!p1 $0x0  }
0x14: {  	s2 =	sld [smem:$0x3F98];
	s0 =	simm.s32 @p1 $0x1  }
0x15: {  	[smem:$0x3FB5] =	sst s0;
	s0 =	simm.s32 @!p2 $0x0  }
0x16: {  	s3 =	sld [smem:$0x3FDB];
	s0 =	simm.s32 @p2 $0x1  }
0x17: {  	s4 =	simm.s32 $0x1BF5;
	[smem:$0x3FB7] =	sst s0  }
0x18: {  	s0 =	sld [smem:$0x3F9A];
	_ =	swait.ge [sflag:s4], $0x0  }
0x19: {  	s7 =	sld [smem:$0x3F9B]  }
0x1a: {  	s8 =	sadd.s32 $0xFFFFE003, lr  }
0x1b: {  	s9 =	sadd.s32 $0xFFFFFEF7, lr;
	s5 =	simm.s32 $0xFFFFFFFF;
	p2 =	slt.u32 s8, $0xFFFFF086  }
0x1c: {  	p1 =	slt.u32 s9, $0xF7A;
	s5 =	simm.s32 @!p2 $0x0  }
0x1d: {  	s5 =	simm.s32 @p1 $0x1;
	p0 =	seq.s32 s7, s2  }
0x1e: {  	s7 =	smul.u32 @!p0 $0xF7A, s2;
	p2 =	seq.s32 @!p0 s5, $0x0  }
0x1f: {  	s9 =	smul.u32 $0xF7A, s1;
	s8 =	simm.s32 @!p0 $0x1BF5;
	p2 =	por !p2, p0  }
0x20: {  	[sflag:s8] =	ssyncset.s32 @!p0 $0xFFFFF086;
	s6 =	sadd.s32 @!p0 s3, s7;
	s7 =	simm.s32 @!p0 $0x108  }
0x21: {  	s3 =	sadd.s32 s3, s9;
	s6 =	sadd.s32 @!p0 $0x88, s6;
	s7 =	simm.s32 @p2 $0x1082  }
0x22: {  	[simem:s7], [sflag:s8] =	dma.local @!p0 [hbm:s6], $0xF7A  }
0x23: {  	s9 =	sor.u32 $0xD0000000, s2;
	s6 =	simm.s32 $0x108;
	_ =	swait.ge @!p0 [sflag:s8], $0x0  }
0x24: {  	s3 =	sadd.s32 $0x88, s3;
	s6 =	simm.s32 @!p1 $0x1082;
	[sflag:s4] =	ssyncset.s32 $0xFFFFF086  }
0x25: {  	[simem:s6], [sflag:s4] =	dma.local [hbm:s3], $0xF7A  }
0x26: {  	[smem:$0x3F9B] =	sst s1;
	(tag) =	ssettag s2;
	_ =	strace s9  }
0x27: {  	s1 =	sld [smem:$0x3FAB]  }
0x28: {  	s2 =	sld [smem:$0x3FAC]  }
0x29: {  	s4 =	sld [smem:$0x3FAE]  }
0x2a: {  	p0 =	seq.s32 s5, $0x0;
	s5 =	sld [smem:$0x3FAF]  }
0x2b: {  	s6 =	sld [smem:$0x3FB0]  }
0x2c: {  	s7 =	sld [smem:$0x3FB1]  }
0x2d: {  	s3 =	simm.s32 $0x108;
	s8 =	sld [smem:$0x3FB2]  }
0x2e: {  	s3 =	simm.s32 @!p0 $0x1082;
	s9 =	sld [smem:$0x3FB3]  }
0x2f: {  	lr =	sadd.s32 s0, s3;
	s0 =	sld [smem:$0x3FAA]  }
0x30: {  	s3 =	sld [smem:$0x3FAD]  }
0x31: {  	[smem:$0x3FB6] =	sst s10  }
0x32: {  	s10 =	sld [smem:$0x3FB4];
	_ =	sdelay $0x3  }
0x33: {  	p0 =	seq.s32 s10, $0x1;
	s10 =	sld [smem:$0x3FB6];
	_ =	sdelay $0x3  }
0x34: {  	[smem:$0x3FB6] =	sst s10  }
0x35: {  	s10 =	sld [smem:$0x3FB5];
	_ =	sdelay $0x3  }
0x36: {  	p1 =	seq.s32 s10, $0x1;
	s10 =	sld [smem:$0x3FB6];
	_ =	sdelay $0x3  }
0x37: {  	[smem:$0x3FB6] =	sst s10  }
0x38: {  	s10 =	sld [smem:$0x3FB7]  }
0x39: {  	_ = 	snop;
	(pc) =	sbr.ind lr, $3  }
0x3a: {  	_ = 	snop  }
0x3b: {  	_ = 	snop  }
0x3c: {  	p2 =	seq.s32 s10, $0x1;
	s10 =	sld [smem:$0x3FB6]  }
0x3d: {  	_ =	shalt  }
0x3e: {  	_ =	shalt  }
0x3f: {  	_ =	shalt  }
0x40: {  	_ =	shalt  }
0x41: {  	_ =	shalt  }
0x42: {  	_ =	shalt  }
0x43: {  	_ =	shalt  }
0x44: {  	_ =	shalt  }
0x45: {  	_ =	shalt  }
0x46: {  	_ =	shalt  }
0x47: {  	_ =	shalt  }
0x48: {  	_ =	shalt  }
0x49: {  	_ =	shalt  }
0x4a: {  	_ =	shalt  }
0x4b: {  	_ =	shalt  }
0x4c: {  	_ =	shalt  }
0x4d: {  	_ =	shalt  }
0x4e: {  	_ =	shalt  }
0x4f: {  	_ =	shalt  }
0x50: {  	_ =	shalt  }
0x51: {  	_ =	shalt  }
0x52: {  	_ =	shalt  }
0x53: {  	_ =	shalt  }
0x54: {  	_ =	shalt  }
0x55: {  	_ =	shalt  }
0x56: {  	_ =	shalt  }
0x57: {  	_ =	shalt  }
0x58: {  	_ =	shalt  }
0x59: {  	_ =	shalt  }
0x5a: {  	_ =	shalt  }
0x5b: {  	_ =	shalt  }
0x5c: {  	_ =	shalt  }
0x5d: {  	_ =	shalt  }
0x5e: {  	_ =	shalt  }
0x5f: {  	_ =	shalt  }
0x60: {  	_ =	shalt  }
0x61: {  	_ =	shalt  }
0x62: {  	_ =	shalt  }
0x63: {  	_ =	shalt  }
0x64: {  	_ =	shalt  }
0x65: {  	_ =	shalt  }
0x66: {  	_ =	shalt  }
0x67: {  	_ =	shalt  }
0x68: {  	_ =	shalt  }
0x69: {  	_ =	shalt  }
0x6a: {  	_ =	shalt  }
0x6b: {  	_ =	shalt  }
0x6c: {  	_ =	shalt  }
0x6d: {  	_ =	shalt  }
0x6e: {  	_ =	shalt  }
0x6f: {  	_ =	shalt  }
0x70: {  	_ =	shalt  }
0x71: {  	_ =	shalt  }
0x72: {  	_ =	shalt  }
0x73: {  	_ =	shalt  }
0x74: {  	_ =	shalt  }
0x75: {  	_ =	shalt  }
0x76: {  	_ =	shalt  }
0x77: {  	_ =	shalt  }
0x78: {  	_ =	shalt  }
0x79: {  	_ =	shalt  }
0x7a: {  	_ =	shalt  }
0x7b: {  	_ =	shalt  }
0x7c: {  	_ =	shalt  }
0x7d: {  	_ =	shalt  }
0x7e: {  	_ =	shalt  }
0x7f: {  	_ =	shalt  }
0x80: {  	_ =	shalt  }
0x81: {  	_ =	shalt  }
0x82: {  	_ =	shalt  }
0x83: {  	_ =	shalt  }
0x84: {  	_ =	shalt  }
0x85: {  	_ =	shalt  }
0x86: {  	_ =	shalt  }
0x87: {  	_ =	shalt  }
.Lfunc_end0:
.L_simem_size_0:
called_computation_lowered:
.L_overlay_start_0:
0x88: {  	s2 =	sld [smem:$0x3FD9]  }
0x89: {  	s3 =	sld [smem:$0x3FFE];
	_ =	sdelay $0x1  }
0x8a: {  	s1 =	srdreg.scid  }
0x8b: {  	s0 =	sand.u32 $0x1, s1  }
0x8c: {  	s17 =	sshll.u32 s0, $0xA;
	s2 =	sadd.s32 s3, s2  }
0x8d: {  	s2 =	sadd.s32 s2, s17  }
0x8e: {  	[smem:$0x3FC2] =	sst s2  }
0x8f: {  	_ = 	snop  }
0x90: {  	s2 =	sld [smem:$0x3FD0];
	(tm) =	ssettm $0x1  }
0x91: {  	s18 =	sld [smem:$0x3FFB];
	_ =	sdelay $0x3  }
0x92: {  	_ =	strace s18  }
0x93: {  	s3 =	sld [smem:$0x3FFC];
	_ =	sdelay $0x3  }
0x94: {  	_ =	strace s3  }
0x95: {  	s3 =	sld [smem:$0x3FFD];
	_ =	sdelay $0x3  }
0x96: {  	_ =	strace s3  }
0x97: {  	_ =	strace $0x8FFFFFFF  }
0x98: {  	s19 =	sld [smem:$0x3FDB];
	_ =	sdelay $0x1  }
0x99: {  	s4 =	simm.s32 $_scs_section_size  }
0x9a: {  	s5 =	simm.s32 $_size__tile_overlayer_lowered;
	s6 =	simm.s32 $_tile_overlayer_lowered  }
0x9b: {  	s22 =	simm.s32 $0x1BFF;
	s21 =	sshll.u32 s6, $0x1;
	s3 =	sadd.s32 s4, s19  }
0x9c: {  	s7 =	simm.s32 $0x0;
	s20 =	sshll.u32 s5, $0x1;
	s5 =	sadd.s32 s21, s3  }
0x9d: {  	[timem:s7], [sflag:s22] =	dma.local [hbm:s5], s20  }
0x9e: {  	_ =	swait.ge [sflag:s22], s20  }
0x9f: {  	s4 =	ssub.s32 $0x0, s20;
	[sflag:s22] =	ssyncset.done $0x0  }
0xa0: {  	[sflag:s22] =	ssyncadd.s32 s4;
	_ =	sdelay $0x1  }
0xa1: {  	s23 =	simm.s32 $0x1B8B  }
0xa2: {  	_ =	swait.ge [sflag:s23], $0x1  }
0xa3: {  	[sflag:s23] =	ssyncset.done $0x0  }
0xa4: {  	s25 =	simm.s32 $0x1B8E;
	s24 =	sld [smem:$0x3FFE];
	[sflag:s23] =	ssyncadd.s32 $0xFFFFFFFF  }
0xa5: {  	s26 =	simm.s32 $execute0_lowered;
	[smem:$0x3FD2] =	sst s25  }
0xa6: {  	s5 =	sshll.u32 s26, $0x1;
	_ =	strace $0x80000046;
	[dreg:$0x1] =	wrdreg $0xFFFFFFFF  }
0xa7: {  	s28 =	simm.s32 $_size_execute0_lowered;
	s3 =	sadd.s32 s3, s5;
	[dreg:$0x0] =	wrdreg $0x0  }
0xa8: {  	s5 =	sshll.u32 s28, $0x1;
	[dreg:$0x2] =	wrdreg s3  }
0xa9: {  	[dreg:$0x3] =	wrdreg s5  }
0xaa: {  	[dreg:$0x4] =	wrdreg $0xC0  }
0xab: {  	_ =	task [dreg:s7], $0x5FFFF  }
0xac: {  	[dreg:$0x1] =	wrdreg $0xFFFFFFFF  }
0xad: {  	[dreg:$0x0] =	wrdreg $0x60  }
0xae: {  	[dreg:$0x2] =	wrdreg s24  }
0xaf: {  	[dreg:$0x3] =	wrdreg s2  }
0xb0: {  	[dreg:$0x4] =	wrdreg $0x38000  }
0xb1: {  	[dreg:$0x5] =	wrdreg $0x9  }
0xb2: {  	_ =	task.clear_ibuf [dreg:s7], $0x6FFFF;
	_ =	strace $0x90000046  }
0xb3: {  	s29 =	simm.s32 $0x9;
	_ =	strace $0x80000048  }
0xb4: {  	_ =	swait.ge [sflag:s29], $0x1  }
0xb5: {  	[sflag:s29] =	ssyncadd.s32 $0xFFFFFFFF  }
0xb6: {  	_ =	strace $0x90000048  }
0xb7: {  	_ =	sfence  }
0xb8: {  	s30 =	sld [smem:$0x0];
	_ =	sdelay $0x2  }
0xb9: {  	s31 =	sshll.u32 s1, $0xD;
	s1 =	sshrl.u32 s1, $0x2  }
0xba: {  	s3 =	sand.u32 $0x4000, s31;
	s1 =	sadd.s32 s1, s30  }
0xbb: {  	s0 =	sor.u32 s3, s0;
	s1 =	sshll.u32 s1, $0x11  }
0xbc: {  	s0 =	sor.u32 s1, s0  }
0xbd: {  	s0 =	sadd.s32 $0x8F2B, s0  }
0xbe: {  	[sflag:s0] =	ssyncadd.remote.s32 $0x1  }
0xbf: {  	_ =	sfence.sel $0xFFFF  }
0xc0: {  	[dreg:$0x0] =	wrdreg $0xFFFFFFFF;
	(pc) =	sbr.abs _section_cstart, $3  }
0xc1: {  	[dreg:$0x1] =	wrdreg $0xFFFFFFFF  }
0xc2: {  	_ =	task.clear_ibuf [dreg:s7], $0x2FFFF;
	_ =	strace $0x9FFFFFFF  }
0xc3: {  	(tm) =	ssettm $0x7FFFFFFF  }
tec
execute0_lowered:
.L_overlay_start_1:
0x0: {  	(tag) =	ssettag $0x1  }
0x1: {  	s6 =	rddreg [dreg:$0x0]  }
0x2: {  	s1 =	srdreg.scid;
	s7 =	rddreg [dreg:$0x1]  }
0x3: {  	s0 =	stileid.u32;
	s2 =	rddreg [dreg:$0x2]  }
0x4: {  	s3 =	simm.s32 $0x0;
	s14 =	simm.s32 $0x80;
	s15 =	simm.s32 $0xB800  }
0x5: {  	s16 =	simm.s32 $0xF800;
	s17 =	simm.s32 $0x1;
	s18 =	simm.s32 $0x2  }
0x6: {  	s19 =	simm.s32 $0x0;
	s5 =	sand.u32 $0x1, s1;
	s1 =	rddreg [dreg:$0x3]  }
0x7: {  	s29 =	sshll.u32 s0, $0x1;
	[smem:$0x7FF] =	sst s3;
	s4 =	sadd.s32 $0x7D8C00, s6  }
0x8: {  	s31 =	sshll.u32 s0, $0xF;
	s12 =	sshll.u32 s0, $0x6;
	s8 =	sor.u32 s5, s29  }
0x9: {  	_ =	strace $0x80000047;
	s11 =	ssub.s32 $0x2, s5;
	s5 =	sadd.s32 $0x1C00, s6  }
0xa: {  	s13 =	sadd.s32 s31, s2;
	s12 =	sor.u32 $0x1C03, s12;
	s9 =	smul.u32 $0x380, s8  }
0xb: {  	s8 =	sshll.u32 s8, $0xC;
	s30 =	sshrl.u32 s11, $0x1;
	s13 =	sshrl.u32 s13, $0x3  }
0xc: {  	s8 =	sadd.s32 s8, s6;
	s11 =	ssub.s32 s11, s30;
	s10 =	sadd.s32 s9, s6  }
0xd: {  	s7 =	sadd.s32 s7, s9;
	s8 =	sadd.s32 $0x7D9C00, s8;
	s9 =	smax.u32 s11, $0x1  }
0xe: {  	s11 =	simm.s32 $0x1C00;
	s6 =	sadd.s32 $0x7D1C00, s10;
	s10 =	simm.s32 $0x3  }
.LBB2_1:
0xf: {  	[tilespmem:s3], [sflag:$0x3] =	stream.linear.gather [hbm4b:s6+s3], $0x1900, $0x38;
	[tilespmem:$0x13800] =	vst v63  }
0x10: {  	_ =	swait.ge [sflag:s10], $0x1900  }
0x11: {  	[sflag:s10] =	ssyncset.done $0x0  }
0x12: {  	[sflag:s10] =	ssyncadd.s32 $0xFFFFE700  }
0x13: {  	[tilespmem:s11], [sflag:$0x3] =	stream.linear.gather [hbm4b:s7+s3], $0x1900, $0x38;
	[tilespmem:$0x13800] =	vst v63  }
0x14: {  	_ =	swait.ge [sflag:s10], $0x1900  }
0x15: {  	[sflag:s10] =	ssyncset.done $0x0  }
0x16: {  	[sflag:s10] =	ssyncadd.s32 $0xFFFFE700  }
0x17: {  	[spmem:s13], [sflag:s12] =	dma.local [hbm:s4], $0x1000  }
0x18: {  	_ =	swait.ge [sflag:s10], $0x1000  }
0x19: {  	[sflag:s10] =	ssyncset.done $0x0  }
0x1a: {  	s20 =	simm.s32 $0x0;
	[sflag:s10] =	ssyncadd.s32 $0xFFFFF000  }
0x1b: {  	[tilespmem:s15], [sflag:$0x1] =	stream.indirect.gather [hbm4b:s5+s14], $0x80, s20, s14, $0xb8;
	[tilespmem:$0x13800] =	vst v63  }
0x1c: {  	s29 =	simm.s32 $0x80  }
0x1d: {  	[tilespmem:s16], [sflag:$0x2] =	stream.indirect.gather [hbm4b:s5+s14], $0x80, s29, s14, $0xb8;
	[tilespmem:$0x13800] =	vst v63  }
0x1e: {  	_ =	swait.ge [sflag:s17], $0x4000  }
0x1f: {  	[sflag:s17] =	ssyncset.done $0x0  }
0x20: {  	s30 =	simm.s32 $0x1C00;
	[sflag:s17] =	ssyncadd.s32 $0xFFFFC000  }
0x21: {  	[spmem:s2] =	stream.indirect.scatter.add.f32 [tilespmem:s15], [sflag:$0x3], $0x80, s30, s14, $0xb8;
	[tilespmem:$0x13800] =	vst v63  }
0x22: {  	_ =	swait.ge [sflag:s10], $0x4000  }
0x23: {  	[sflag:s10] =	ssyncset.done $0x0  }
0x24: {  	[sflag:s10] =	ssyncadd.s32 $0xFFFFC000  }
0x25: {  	_ =	swait.ge [sflag:s18], $0x4000  }
0x26: {  	[sflag:s18] =	ssyncset.done $0x0  }
0x27: {  	s31 =	simm.s32 $0x1C80;
	[sflag:s18] =	ssyncadd.s32 $0xFFFFC000  }
0x28: {  	[spmem:s2] =	stream.indirect.scatter.add.f32 [tilespmem:s16], [sflag:$0x3], $0x80, s31, s14, $0xb8;
	[tilespmem:$0x13800] =	vst v63  }
0x29: {  	_ =	swait.ge [sflag:s10], $0x4000  }
0x2a: {  	s21 =	simm.s32 $0x800;
	s20 =	simm.s32 $0x400;
	[sflag:s10] =	ssyncset.done $0x0  }
.LBB2_2:
0x2b: {  	s22 =	sshra.s32 s20, $0x2  }
0x2c: {  	[sflag:s10] =	ssyncadd.s32 $0xFFFFC000;
	s20 =	smov.u32 s21;
	s23 =	sadd.s32 $0x400, s21  }
0x2d: {  	[tilespmem:s15], [sflag:$0x1] =	stream.indirect.gather [hbm4b:s5+s14], $0x80, s22, s14, $0xb8;
	[tilespmem:$0x13800] =	vst v63  }
0x2e: {  	p0 =	sne.s32 s21, $0x6000;
	s21 =	sadd.s32 $0x80, s22  }
0x2f: {  	[tilespmem:s16], [sflag:$0x2] =	stream.indirect.gather [hbm4b:s5+s14], $0x80, s21, s14, $0xb8;
	[tilespmem:$0x13800] =	vst v63  }
0x30: {  	_ =	swait.ge [sflag:s17], $0x4000  }
0x31: {  	[sflag:s17] =	ssyncset.done $0x0  }
0x32: {  	s21 =	sadd.s32 $0x1C00, s22;
	[sflag:s17] =	ssyncadd.s32 $0xFFFFC000  }
0x33: {  	[spmem:s2] =	stream.indirect.scatter.add.f32 [tilespmem:s15], [sflag:$0x3], $0x80, s21, s14, $0xb8;
	[tilespmem:$0x13800] =	vst v63  }
0x34: {  	_ =	swait.ge [sflag:s10], $0x4000  }
0x35: {  	[sflag:s10] =	ssyncset.done $0x0  }
0x36: {  	[sflag:s10] =	ssyncadd.s32 $0xFFFFC000  }
0x37: {  	_ =	swait.ge [sflag:s18], $0x4000  }
.Ltmp0:
0x38: {  	[sflag:s18] =	ssyncset.done $0x0;
	(pc) =	sbr.rel @p0 .LBB2_2-.Ltmp0, $4  }
0x39: {  	s21 =	sadd.s32 $0x1C80, s22;
	[sflag:s18] =	ssyncadd.s32 $0xFFFFC000  }
0x3a: {  	[spmem:s2] =	stream.indirect.scatter.add.f32 [tilespmem:s16], [sflag:$0x3], $0x80, s21, s14, $0xb8;
	[tilespmem:$0x13800] =	vst v63  }
0x3b: {  	_ =	swait.ge [sflag:s10], $0x4000  }
0x3c: {  	s21 =	smov.u32 s23;
	[sflag:s10] =	ssyncset.done $0x0  }
0x3d: {  	s20 =	sshra.s32 s20, $0x2;
	[sflag:s10] =	ssyncadd.s32 $0xFFFFC000  }
0x3e: {  	[tilespmem:s15], [sflag:$0x1] =	stream.indirect.gather [hbm4b:s5+s14], $0x80, s20, s14, $0xb8;
	[tilespmem:$0x13800] =	vst v63  }
0x3f: {  	s21 =	sadd.s32 $0x80, s20  }
0x40: {  	[tilespmem:s16], [sflag:$0x2] =	stream.indirect.gather [hbm4b:s5+s14], $0x80, s21, s14, $0xb8;
	[tilespmem:$0x13800] =	vst v63  }
0x41: {  	_ =	swait.ge [sflag:s17], $0x4000  }
0x42: {  	[sflag:s17] =	ssyncset.done $0x0  }
0x43: {  	s31 =	sadd.s32 $0x1C00, s20;
	[sflag:s17] =	ssyncadd.s32 $0xFFFFC000  }
0x44: {  	[spmem:s2] =	stream.indirect.scatter.add.f32 [tilespmem:s15], [sflag:$0x3], $0x80, s31, s14, $0xb8;
	[tilespmem:$0x13800] =	vst v63  }
0x45: {  	_ =	swait.ge [sflag:s10], $0x4000  }
0x46: {  	[sflag:s10] =	ssyncset.done $0x0  }
0x47: {  	[sflag:s10] =	ssyncadd.s32 $0xFFFFC000  }
0x48: {  	_ =	swait.ge [sflag:s18], $0x4000  }
0x49: {  	[sflag:s18] =	ssyncset.done $0x0  }
0x4a: {  	s20 =	sadd.s32 $0x1C80, s20;
	[sflag:s18] =	ssyncadd.s32 $0xFFFFC000  }
0x4b: {  	[spmem:s2] =	stream.indirect.scatter.add.f32 [tilespmem:s16], [sflag:$0x3], $0x80, s20, s14, $0xb8;
	[tilespmem:$0x13800] =	vst v63  }
0x4c: {  	s19 =	sadd.s32 $0x1, s19;
	_ =	swait.ge [sflag:s10], $0x4000  }
0x4d: {  	p0 =	sne.s32 s19, s9;
	[sflag:s10] =	ssyncset.done $0x0  }
.Ltmp1:
0x4e: {  	[sflag:s10] =	ssyncadd.s32 $0xFFFFC000;
	(pc) =	sbr.rel @p0 .LBB2_1-.Ltmp1, $4  }
0x4f: {  	[hbm:s8], [sflag:s12] =	dma.local [spmem:s13], $0x1000  }
0x50: {  	_ =	swait.ge [sflag:s10], $0x1000  }
0x51: {  	[sflag:s10] =	ssyncset.done $0x0  }
0x52: {  	[sflag:s10] =	ssyncadd.s32 $0xFFFFF000  }
0x53: {  	_ =	sfence.sel $0x180000  }
0x54: {  	[bflag:$0x0] =	sbarrier.arrive $0xFFFF  }
0x55: {  	p0 =	sne.s32 s0, $0x0;
	_ =	strace $0x90000047  }
0x56: {  	s0 =	sadd.s32 @!p0 $0x100000, s1;
	[bflag:$0x2] =	sbarrier.arrive $0xFFFF  }
0x57: {  	[sflag:s0] =	ssyncadd.tile.s32 @!p0 $0x1;
	_ =	shalt  }
.Lfunc_end2:
_tile_overlayer_lowered:
.L_overlay_start_2:
0x58: {  	(tag) =	ssettag $0x2  }
0x59: {  	s0 =	rddreg [dreg:$0x0];
	s2 =	stileid.u32  }
0x5a: {  	s1 =	rddreg [dreg:$0x1];
	p0 =	sne.s32 s2, $0x0  }
0x5b: {  	s3 =	rddreg [dreg:$0x2];
	[bflag:$0x3] =	sbarrier.arrive $0xFFFF;
	s2 =	simm.s32 @!p0 $0x1C03  }
0x5c: {  	[timem:s3], [sflag:s2] =	dma.local @!p0 [hbm:s0], s1  }
0x5d: {  	s0 =	simm.s32 @!p0 $0x3  }
0x5e: {  	_ =	swait.ge @!p0 [sflag:s0], s1  }
0x5f: {  	s1 =	ssub.s32 @!p0 $0x0, s1;
	[sflag:s0] =	ssyncset.done @!p0 $0x0  }
0x60: {  	[sflag:s0] =	ssyncadd.s32 @!p0 s1  }
0x61: {  	[bflag:$0x3] =	sbarrier.arrive $0xFFFF  }
0x62: {  	_ =	shalt  }

</sc_bundles>
